<compile_context>
chip_gen: v7x
topology: tpu7x:2x2x1
jax: 0.10.2.dev20260603
libtpu: 0.0.44.dev20260713+nightly
codegen_flags: <defaults>
</compile_context>

<pallas_src>
import jax
import jax.numpy as jnp
from jax.experimental import pallas as pl
from jax.experimental.pallas import tpu as pltpu

D = 64
ALPHA = 0.2


def _leaky(x):
    return jnp.where(x >= 0, x, ALPHA * x)


def _hgat_kernel(x_ref, adj_ref, w2a_ref, w3a_ref, wtb_ref, w2b_ref,
                 w3b_ref, vecs_ref, pw_ref, out_ref):
    x = x_ref[:]
    adj = adj_ref[0].astype(jnp.bfloat16)
    adj_t = adj.T
    vecs = vecs_ref[:]
    e_cnt = adj.shape[0]

    def layer(xin, Wt, W2, W3, a_lo, ctx, a_hi, a2_lo, a2_hi):
        x4 = jnp.dot(xin, W2, preferred_element_type=jnp.float32)
        xt = xin if Wt is None else jnp.dot(xin, Wt,
                                            preferred_element_type=jnp.float32)
        q = jnp.sum(ctx * a_lo)
        n_col = jax.lax.dot_general(x4, a_hi, (((1,), (1,)), ((), ())),
                                    preferred_element_type=jnp.float32)
        e_col = _leaky(q + n_col)
        w_col = jnp.exp(e_col - jnp.max(e_col))
        xw = jnp.concatenate([xt * w_col, w_col], axis=1)
        nd = jnp.dot(adj, xw.astype(jnp.bfloat16),
                     preferred_element_type=jnp.float32)
        den = nd[:, D:D + 1]
        mean_xt = jnp.mean(xt, axis=0, keepdims=True)
        safe = den > 0
        rden = 1.0 / jnp.where(safe, den, 1.0)
        edge = jnp.where(safe, nd[:, :D] * rden, mean_xt)
        edge4 = jnp.dot(edge, W3, preferred_element_type=jnp.float32)
        qn_col = jax.lax.dot_general(x4, a2_lo, (((1,), (1,)), ((), ())),
                                     preferred_element_type=jnp.float32)
        ye_row = jax.lax.dot_general(a2_hi, edge4, (((1,), (1,)), ((), ())),
                                     preferred_element_type=jnp.float32)
        m2_col = _leaky(qn_col + jnp.max(ye_row))
        a1 = jnp.exp(qn_col - m2_col).astype(jnp.bfloat16)
        a2 = jnp.exp(ALPHA * qn_col - m2_col).astype(jnp.bfloat16)
        b1 = jnp.exp(ye_row).astype(jnp.bfloat16)
        b2 = jnp.exp(ALPHA * ye_row).astype(jnp.bfloat16)
        P = jnp.maximum(a1 * b1, a2 * b2) * adj_t
        edge_aug = jnp.concatenate([edge, jnp.ones((e_cnt, 1), jnp.float32)],
                                   axis=1).astype(jnp.bfloat16)
        ndn = jnp.dot(P, edge_aug,
                      preferred_element_type=jnp.float32)
        colsum = ndn[:, D:D + 1]
        mean_edge = jnp.mean(edge, axis=0, keepdims=True)
        safe2 = colsum > 0
        rcol = 1.0 / jnp.where(safe2, colsum, 1.0)
        return jnp.where(safe2, ndn[:, :D] * rcol, mean_edge)

    h = layer(x, None, w2a_ref[:], w3a_ref[:],
              vecs[0:1], vecs[1:2], vecs[2:3], vecs[3:4], vecs[4:5])
    h = jnp.where(h > 0, h, jnp.exp(h) - 1.0)
    h2 = layer(h, wtb_ref[:], w2b_ref[:], w3b_ref[:],
               vecs[5:6], vecs[6:7], vecs[7:8], vecs[8:9], vecs[9:10])
    pooled = jnp.sum(h2, axis=0, keepdims=True)
    pooled_aug = jnp.concatenate([pooled, jnp.ones((1, 1), jnp.float32),
                                  jnp.zeros((1, 7), jnp.float32)],
                                 axis=1)
    logits = jnp.dot(pooled_aug, pw_ref[:],
                     preferred_element_type=jnp.float32)
    lane = jax.lax.broadcasted_iota(jnp.int32, logits.shape, 1)
    valid = lane < 16
    lmax = jnp.max(jnp.where(valid, logits, -jnp.inf))
    lse = jnp.log(jnp.sum(jnp.where(valid, jnp.exp(logits - lmax), 0.0)))
    out_ref[0] = logits - lmax - lse


def _hgat(x, adj, l1_W2, l1_W3, l2_W, l2_W2, l2_W3, vecs, pw_aug):
    B, E, N = adj.shape[0], adj.shape[1], adj.shape[2]
    grid = (B,)
    wspec = pl.BlockSpec((D, D), lambda b: (0, 0))
    out = pl.pallas_call(
        _hgat_kernel,
        grid=grid,
        in_specs=[
            pl.BlockSpec((N, D), lambda b: (b, 0)),
            pl.BlockSpec((1, E, N), lambda b: (b, 0, 0)),
            wspec, wspec, wspec, wspec, wspec,
            pl.BlockSpec((16, D), lambda b: (0, 0)),
            pl.BlockSpec((D + 8, 128), lambda b: (0, 0)),
        ],
        out_specs=pl.BlockSpec((1, 1, 128), lambda b: (b, 0, 0)),
        out_shape=jax.ShapeDtypeStruct((B, 1, 128), jnp.float32),
        compiler_params=pltpu.CompilerParams(
            dimension_semantics=("parallel",)),
    )(x, adj, l1_W2, l1_W3, l2_W, l2_W2, l2_W3, vecs, pw_aug)
    return out[:, 0, :16]


def kernel(words2ids, paris_mat, table, l1_W2, l1_W3, l1_ctx, l1_a, l1_a2,
           l2_W, l2_W2, l2_W3, l2_ctx, l2_a, l2_a2, pW, pb):
    B, N = words2ids.shape
    x = table[words2ids.reshape(-1)]
    vecs = jnp.zeros((16, D), jnp.float32)
    rows = [l1_a[:D], l1_ctx, l1_a[D:], l1_a2[:D], l1_a2[D:],
            l2_a[:D], l2_ctx, l2_a[D:], l2_a2[:D], l2_a2[D:]]
    vecs = vecs.at[:10].set(jnp.stack(rows))
    pw_aug = jnp.zeros((D + 8, 128), jnp.float32)
    pw_aug = pw_aug.at[:D, :16].set(pW).at[D, :16].set(pb)
    return _hgat(x, paris_mat, l1_W2, l1_W3, l2_W, l2_W2, l2_W3, vecs, pw_aug)

# --- scband reference (transcript-rebuilt; emitter-appended) ---
"""Pipeline reference for scband-hyper-gat-15264313770611 (READ-ONLY COPY).

The authoritative reference and input builder live on the scoring server;
editing this copy changes nothing except your own understanding.
"""

import jax, jax.numpy as jnp
import numpy as np

D = 64
ALPHA = 0.2

def _leaky(x):
    return jnp.where(x >= 0, x, ALPHA * x)

def _layer(x, adj, W, W2, W3, ctx, a, a2, transfer, concat):
    # x: [B, N, D] node feats, adj: [B, E, N] hyperedge incidence (0/1)
    x_4att = x @ W2
    if transfer:
        x = x @ W
    # node -> edge attention: e[b,e,n] = leakyrelu(ctx.a[:D] + x_4att[b,n].a[D:])
    q_term = jnp.dot(ctx, a[:D])                 # scalar
    n_term = x_4att @ a[D:]                      # [B, N]
    e = _leaky(q_term + n_term)                  # [B, N]
    att = jnp.where(adj > 0, e[:, None, :], -9e15)
    att_edge = jax.nn.softmax(att, axis=2)       # softmax over nodes per edge
    edge = att_edge @ x                          # [B, E, D]
    # edge -> node attention: e2[b,e,n] = leakyrelu(x_4att[b,n].a2[:D] + edge_4att[b,e].a2[D:])
    edge_4att = edge @ W3
    qn = x_4att @ a2[:D]                         # [B, N]
    ye = edge_4att @ a2[D:]                      # [B, E]
    e2 = _leaky(qn[:, None, :] + ye[:, :, None]) # [B, E, N]
    att2 = jnp.where(adj > 0, e2, -9e15)
    att_node = jax.nn.softmax(att2, axis=1)      # softmax over edges per node, [B, E, N]
    node = jnp.einsum('ben,bed->bnd', att_node, edge)  # [B, N, D]
    if concat:
        node = jax.nn.elu(node)
    return node

def setup_inputs(seed=0):
    key = jax.random.key(seed)
    ks = jax.random.split(key, 20)
    B, N, E, V, C = 8, 2048, 1024, 100000, 16
    s = 0.05
    words2ids = jax.random.randint(ks[0], (B, N), 0, V)
    paris_mat = jax.random.randint(ks[1], (B, E, N), 0, 2).astype(jnp.float32)
    table = jax.random.normal(ks[2], (V, D), dtype=jnp.float32) * s
    l1_W2 = jax.random.normal(ks[3], (D, D), dtype=jnp.float32) * s
    l1_W3 = jax.random.normal(ks[4], (D, D), dtype=jnp.float32) * s
    l1_ctx = jax.random.normal(ks[5], (D,), dtype=jnp.float32) * s
    l1_a = jax.random.normal(ks[6], (2 * D,), dtype=jnp.float32) * s
    l1_a2 = jax.random.normal(ks[7], (2 * D,), dtype=jnp.float32) * s
    l2_W = jax.random.normal(ks[8], (D, D), dtype=jnp.float32) * s
    l2_W2 = jax.random.normal(ks[9], (D, D), dtype=jnp.float32) * s
    l2_W3 = jax.random.normal(ks[10], (D, D), dtype=jnp.float32) * s
    l2_ctx = jax.random.normal(ks[11], (D,), dtype=jnp.float32) * s
    l2_a = jax.random.normal(ks[12], (2 * D,), dtype=jnp.float32) * s
    l2_a2 = jax.random.normal(ks[13], (2 * D,), dtype=jnp.float32) * s
    pW = jax.random.normal(ks[14], (D, C), dtype=jnp.float32) * s
    pb = jnp.zeros((C,), dtype=jnp.float32)
    return {"words2ids": words2ids, "paris_mat": paris_mat, "table": table,
            "l1_W2": l1_W2, "l1_W3": l1_W3, "l1_ctx": l1_ctx, "l1_a": l1_a, "l1_a2": l1_a2,
            "l2_W": l2_W, "l2_W2": l2_W2, "l2_W3": l2_W3, "l2_ctx": l2_ctx, "l2_a": l2_a, "l2_a2": l2_a2,
            "pW": pW, "pb": pb}

def reference(words2ids, paris_mat, table, l1_W2, l1_W3, l1_ctx, l1_a, l1_a2,
              l2_W, l2_W2, l2_W3, l2_ctx, l2_a, l2_a2, pW, pb):
    x = table[words2ids]                                   # embedding lookup [B, N, D]
    h = _layer(x, paris_mat, None, l1_W2, l1_W3, l1_ctx, l1_a, l1_a2, False, True)
    # dropout is identity in eval mode
    h = _layer(h, paris_mat, l2_W, l2_W2, l2_W3, l2_ctx, l2_a, l2_a2, True, False)
    pooled = h.sum(axis=1)                                 # [B, D]
    logits = pooled @ pW + pb                              # [B, C]
    return jax.nn.log_softmax(logits, axis=1)

if __name__ == "__main__":
    import jax
    _d = setup_inputs()
    print(jax.jit(kernel)(*tuple(_d.values())))

</pallas_src>

<mosaic_0001>
module attributes {stable_mosaic.version = 14 : i64} {
  func.func @_hgat_kernel(%arg0: i32, %arg1: memref<2048x64xf32, #tpu.memory_space<vmem>>, %arg2: memref<1x1024x2048xf32, #tpu.memory_space<vmem>>, %arg3: memref<64x64xf32, #tpu.memory_space<vmem>>, %arg4: memref<64x64xf32, #tpu.memory_space<vmem>>, %arg5: memref<64x64xf32, #tpu.memory_space<vmem>>, %arg6: memref<64x64xf32, #tpu.memory_space<vmem>>, %arg7: memref<64x64xf32, #tpu.memory_space<vmem>>, %arg8: memref<16x64xf32, #tpu.memory_space<vmem>>, %arg9: memref<72x128xf32, #tpu.memory_space<vmem>>, %arg10: memref<1x1x128xf32, #tpu.memory_space<vmem>>) attributes {dimension_semantics = [#tpu.dimension_semantics<parallel>], iteration_bounds = array<i64: 8>, scalar_prefetch = 0 : i64, scratch_operands = 0 : i64, tpu.core_type = #tpu.core_type<tc>, window_params = [{transform_indices = @transform_0, window_bounds = array<i64: 2048, 64>}, {transform_indices = @transform_1, window_bounds = array<i64: 1, 1024, 2048>}, {pipeline_mode = #tpu.pipeline_mode<synchronous>, transform_indices = @transform_2, window_bounds = array<i64: 64, 64>}, {pipeline_mode = #tpu.pipeline_mode<synchronous>, transform_indices = @transform_3, window_bounds = array<i64: 64, 64>}, {pipeline_mode = #tpu.pipeline_mode<synchronous>, transform_indices = @transform_4, window_bounds = array<i64: 64, 64>}, {pipeline_mode = #tpu.pipeline_mode<synchronous>, transform_indices = @transform_5, window_bounds = array<i64: 64, 64>}, {pipeline_mode = #tpu.pipeline_mode<synchronous>, transform_indices = @transform_6, window_bounds = array<i64: 64, 64>}, {pipeline_mode = #tpu.pipeline_mode<synchronous>, transform_indices = @transform_7, window_bounds = array<i64: 16, 64>}, {pipeline_mode = #tpu.pipeline_mode<synchronous>, transform_indices = @transform_8, window_bounds = array<i64: 72, 128>}, {transform_indices = @transform_9, window_bounds = array<i64: 1, 1, 128>}]} {
    %get3A = arith.constant 0 : index
    %get3A_0 = arith.constant 0 : index
    %get3A_1 = vector.load %arg1[%get3A, %get3A_0] : memref<2048x64xf32, #tpu.memory_space<vmem>>, vector<2048x64xf32>
    %get3A_2 = arith.constant 0 : index
    %get3A_3 = arith.constant 0 : index
    %get3A_4 = arith.constant 0 : index
    %get3A_5 = vector.load %arg2[%get3A_2, %get3A_3, %get3A_4] : memref<1x1024x2048xf32, #tpu.memory_space<vmem>>, vector<1x1024x2048xf32>
    %get3A_6 = vector.shape_cast %get3A_5 : vector<1x1024x2048xf32> to vector<1024x2048xf32>
    %convert_element_type3A = arith.truncf %get3A_6 : vector<1024x2048xf32> to vector<1024x2048xbf16>
    %transpose3A = tpu.transpose %convert_element_type3A, [1, 0] : vector<1024x2048xbf16> -> vector<2048x1024xbf16>
    %get3A_7 = arith.constant 0 : index
    %get3A_8 = arith.constant 0 : index
    %get3A_9 = vector.load %arg8[%get3A_7, %get3A_8] : memref<16x64xf32, #tpu.memory_space<vmem>>, vector<16x64xf32>
    %get3A_10 = arith.constant 0 : index
    %get3A_11 = arith.constant 0 : index
    %get3A_12 = vector.load %arg3[%get3A_10, %get3A_11] : memref<64x64xf32, #tpu.memory_space<vmem>>, vector<64x64xf32>
    %get3A_13 = arith.constant 0 : index
    %get3A_14 = arith.constant 0 : index
    %get3A_15 = vector.load %arg4[%get3A_13, %get3A_14] : memref<64x64xf32, #tpu.memory_space<vmem>>, vector<64x64xf32>
    %slice3A = vector.extract_strided_slice %get3A_9 {offsets = [0, 0], sizes = [1, 64], strides = [1, 1]} : vector<16x64xf32> to vector<1x64xf32>
    %slice3A_16 = vector.extract_strided_slice %get3A_9 {offsets = [1, 0], sizes = [1, 64], strides = [1, 1]} : vector<16x64xf32> to vector<1x64xf32>
    %slice3A_17 = vector.extract_strided_slice %get3A_9 {offsets = [2, 0], sizes = [1, 64], strides = [1, 1]} : vector<16x64xf32> to vector<1x64xf32>
    %slice3A_18 = vector.extract_strided_slice %get3A_9 {offsets = [3, 0], sizes = [1, 64], strides = [1, 1]} : vector<16x64xf32> to vector<1x64xf32>
    %slice3A_19 = vector.extract_strided_slice %get3A_9 {offsets = [4, 0], sizes = [1, 64], strides = [1, 1]} : vector<16x64xf32> to vector<1x64xf32>
    %dot_general3A = arith.constant dense<0.000000e+00> : vector<2048x64xf32>
    %dot_general3A_20 = tpu.matmul %get3A_1, %get3A_12, %dot_general3A {dimension_numbers = #tpu.dot_dimension_numbers<[1], [0], [0], [1], [0, 0, 1, 1], [], []>, transpose_lhs_hint = false} : vector<2048x64xf32>, vector<64x64xf32>, vector<2048x64xf32> -> vector<2048x64xf32>
    %mul3A = arith.mulf %slice3A_16, %slice3A : vector<1x64xf32>
    %reduce_sum3A = vector.shape_cast %mul3A : vector<1x64xf32> to vector<1x1x64xf32>
    %reduce_sum3A_21 = arith.constant dense<0.000000e+00> : vector<1xf32>
    %reduce_sum3A_22 = vector.multi_reduction <add>, %reduce_sum3A, %reduce_sum3A_21 [1, 2] : vector<1x1x64xf32> to vector<1xf32>
    %reduce_sum3A_23 = vector.shape_cast %reduce_sum3A_22 : vector<1xf32> to vector<1x1x1xf32>
    %reduce_sum3A_24 = vector.extract %reduce_sum3A_23[0, 0, 0] : f32 from vector<1x1x1xf32>
    %dot_general3A_25 = arith.constant dense<0.000000e+00> : vector<2048x1xf32>
    %dot_general3A_26 = tpu.matmul %dot_general3A_20, %slice3A_17, %dot_general3A_25 {dimension_numbers = #tpu.dot_dimension_numbers<[1], [1], [0], [0], [0, 0, 1, 0], [], []>, transpose_lhs_hint = false} : vector<2048x64xf32>, vector<1x64xf32>, vector<2048x1xf32> -> vector<2048x1xf32>
    %add3A = vector.broadcast %reduce_sum3A_24 : f32 to vector<2048x1xf32>
    %add3A_27 = arith.addf %add3A, %dot_general3A_26 : vector<2048x1xf32>
    %ge3A = arith.constant 0.000000e+00 : f32
    %ge3A_28 = vector.broadcast %ge3A : f32 to vector<2048x1xf32>
    %ge3A_29 = arith.cmpf oge, %add3A_27, %ge3A_28 : vector<2048x1xf32>
    %mul3A_30 = arith.constant 2.000000e-01 : f32
    %mul3A_31 = vector.broadcast %mul3A_30 : f32 to vector<2048x1xf32>
    %mul3A_32 = arith.mulf %mul3A_31, %add3A_27 : vector<2048x1xf32>
    %select_n3A = arith.select %ge3A_29, %add3A_27, %mul3A_32 : vector<2048x1xi1>, vector<2048x1xf32>
    %reduce_max3A = vector.shape_cast %select_n3A : vector<2048x1xf32> to vector<1x2048x1xf32>
    %reduce_max3A_33 = arith.constant dense<0xFF800000> : vector<1xf32>
    %reduce_max3A_34 = vector.multi_reduction <maximumf>, %reduce_max3A, %reduce_max3A_33 [1, 2] : vector<1x2048x1xf32> to vector<1xf32>
    %reduce_max3A_35 = vector.shape_cast %reduce_max3A_34 : vector<1xf32> to vector<1x1x1xf32>
    %reduce_max3A_36 = vector.extract %reduce_max3A_35[0, 0, 0] : f32 from vector<1x1x1xf32>
    %sub3A = vector.broadcast %reduce_max3A_36 : f32 to vector<2048x1xf32>
    %sub3A_37 = arith.subf %select_n3A, %sub3A : vector<2048x1xf32>
    %exp3A = math.exp %sub3A_37 : vector<2048x1xf32>
    %mul3A_38 = vector.broadcast %exp3A : vector<2048x1xf32> to vector<2048x64xf32>
    %mul3A_39 = arith.mulf %get3A_1, %mul3A_38 : vector<2048x64xf32>
    %concatenate3A = tpu.concatenate %mul3A_39, %exp3A in 1 : vector<2048x64xf32>, vector<2048x1xf32> -> vector<2048x65xf32>
    %convert_element_type3A_40 = arith.truncf %concatenate3A : vector<2048x65xf32> to vector<2048x65xbf16>
    %dot_general3A_41 = arith.constant dense<0.000000e+00> : vector<1024x65xf32>
    %dot_general3A_42 = tpu.matmul %convert_element_type3A, %convert_element_type3A_40, %dot_general3A_41 {dimension_numbers = #tpu.dot_dimension_numbers<[1], [0], [0], [1], [0, 0, 1, 1], [], []>, transpose_lhs_hint = false} : vector<1024x2048xbf16>, vector<2048x65xbf16>, vector<1024x65xf32> -> vector<1024x65xf32>
    %slice3A_43 = vector.extract_strided_slice %dot_general3A_42 {offsets = [0, 64], sizes = [1024, 1], strides = [1, 1]} : vector<1024x65xf32> to vector<1024x1xf32>
    %reduce_sum3A_44 = arith.constant dense<0.000000e+00> : vector<64xf32>
    %reduce_sum3A_45 = vector.multi_reduction <add>, %get3A_1, %reduce_sum3A_44 [0] : vector<2048x64xf32> to vector<64xf32>
    %broadcast_in_dim3A = vector.shape_cast %reduce_sum3A_45 : vector<64xf32> to vector<1x64xf32>
    %div3A = arith.constant 2.048000e+03 : f32
    %div3A_46 = vector.broadcast %div3A : f32 to vector<1x64xf32>
    %div3A_47 = arith.divf %broadcast_in_dim3A, %div3A_46 : vector<1x64xf32>
    %gt3A = arith.constant 0.000000e+00 : f32
    %gt3A_48 = vector.broadcast %gt3A : f32 to vector<1024x1xf32>
    %gt3A_49 = arith.cmpf ogt, %slice3A_43, %gt3A_48 : vector<1024x1xf32>
    %jit3A = arith.constant 1.000000e+00 : f32
    %broadcast_in_dim3A_50 = vector.broadcast %jit3A : f32 to vector<1024x1xf32>
    %select_n3A_51 = arith.select %gt3A_49, %slice3A_43, %broadcast_in_dim3A_50 : vector<1024x1xi1>, vector<1024x1xf32>
    %div3A_52 = arith.constant 1.000000e+00 : f32
    %div3A_53 = vector.broadcast %div3A_52 : f32 to vector<1024x1xf32>
    %div3A_54 = arith.divf %div3A_53, %select_n3A_51 : vector<1024x1xf32>
    %slice3A_55 = vector.extract_strided_slice %dot_general3A_42 {offsets = [0, 0], sizes = [1024, 64], strides = [1, 1]} : vector<1024x65xf32> to vector<1024x64xf32>
    %mul3A_56 = vector.broadcast %div3A_54 : vector<1024x1xf32> to vector<1024x64xf32>
    %mul3A_57 = arith.mulf %slice3A_55, %mul3A_56 : vector<1024x64xf32>
    %broadcast_in_dim3A_58 = vector.shape_cast %gt3A_49 : vector<1024x1xi1> to vector<1024x1xi1>
    %broadcast_in_dim3A_59 = vector.broadcast %broadcast_in_dim3A_58 : vector<1024x1xi1> to vector<1024x64xi1>
    %broadcast_in_dim3A_60 = vector.shape_cast %div3A_47 : vector<1x64xf32> to vector<1x64xf32>
    %broadcast_in_dim3A_61 = vector.broadcast %broadcast_in_dim3A_60 : vector<1x64xf32> to vector<1024x64xf32>
    %select_n3A_62 = arith.select %broadcast_in_dim3A_59, %mul3A_57, %broadcast_in_dim3A_61 : vector<1024x64xi1>, vector<1024x64xf32>
    %dot_general3A_63 = arith.constant dense<0.000000e+00> : vector<1024x64xf32>
    %dot_general3A_64 = tpu.matmul %select_n3A_62, %get3A_15, %dot_general3A_63 {dimension_numbers = #tpu.dot_dimension_numbers<[1], [0], [0], [1], [0, 0, 1, 1], [], []>, transpose_lhs_hint = false} : vector<1024x64xf32>, vector<64x64xf32>, vector<1024x64xf32> -> vector<1024x64xf32>
    %dot_general3A_65 = arith.constant dense<0.000000e+00> : vector<2048x1xf32>
    %dot_general3A_66 = tpu.matmul %dot_general3A_20, %slice3A_18, %dot_general3A_65 {dimension_numbers = #tpu.dot_dimension_numbers<[1], [1], [0], [0], [0, 0, 1, 0], [], []>, transpose_lhs_hint = false} : vector<2048x64xf32>, vector<1x64xf32>, vector<2048x1xf32> -> vector<2048x1xf32>
    %dot_general3A_67 = arith.constant dense<0.000000e+00> : vector<1x1024xf32>
    %dot_general3A_68 = tpu.matmul %slice3A_19, %dot_general3A_64, %dot_general3A_67 {dimension_numbers = #tpu.dot_dimension_numbers<[1], [1], [0], [0], [0, 0, 1, 0], [], []>, transpose_lhs_hint = false} : vector<1x64xf32>, vector<1024x64xf32>, vector<1x1024xf32> -> vector<1x1024xf32>
    %reduce_max3A_69 = vector.shape_cast %dot_general3A_68 : vector<1x1024xf32> to vector<1x1x1024xf32>
    %reduce_max3A_70 = arith.constant dense<0xFF800000> : vector<1xf32>
    %reduce_max3A_71 = vector.multi_reduction <maximumf>, %reduce_max3A_69, %reduce_max3A_70 [1, 2] : vector<1x1x1024xf32> to vector<1xf32>
    %reduce_max3A_72 = vector.shape_cast %reduce_max3A_71 : vector<1xf32> to vector<1x1x1xf32>
    %reduce_max3A_73 = vector.extract %reduce_max3A_72[0, 0, 0] : f32 from vector<1x1x1xf32>
    %add3A_74 = vector.broadcast %reduce_max3A_73 : f32 to vector<2048x1xf32>
    %add3A_75 = arith.addf %dot_general3A_66, %add3A_74 : vector<2048x1xf32>
    %ge3A_76 = arith.constant 0.000000e+00 : f32
    %ge3A_77 = vector.broadcast %ge3A_76 : f32 to vector<2048x1xf32>
    %ge3A_78 = arith.cmpf oge, %add3A_75, %ge3A_77 : vector<2048x1xf32>
    %mul3A_79 = arith.constant 2.000000e-01 : f32
    %mul3A_80 = vector.broadcast %mul3A_79 : f32 to vector<2048x1xf32>
    %mul3A_81 = arith.mulf %mul3A_80, %add3A_75 : vector<2048x1xf32>
    %select_n3A_82 = arith.select %ge3A_78, %add3A_75, %mul3A_81 : vector<2048x1xi1>, vector<2048x1xf32>
    %sub3A_83 = arith.subf %dot_general3A_66, %select_n3A_82 : vector<2048x1xf32>
    %exp3A_84 = math.exp %sub3A_83 : vector<2048x1xf32>
    %convert_element_type3A_85 = arith.truncf %exp3A_84 : vector<2048x1xf32> to vector<2048x1xbf16>
    %mul3A_86 = arith.constant 2.000000e-01 : f32
    %mul3A_87 = vector.broadcast %mul3A_86 : f32 to vector<2048x1xf32>
    %mul3A_88 = arith.mulf %mul3A_87, %dot_general3A_66 : vector<2048x1xf32>
    %sub3A_89 = arith.subf %mul3A_88, %select_n3A_82 : vector<2048x1xf32>
    %exp3A_90 = math.exp %sub3A_89 : vector<2048x1xf32>
    %convert_element_type3A_91 = arith.truncf %exp3A_90 : vector<2048x1xf32> to vector<2048x1xbf16>
    %exp3A_92 = math.exp %dot_general3A_68 : vector<1x1024xf32>
    %convert_element_type3A_93 = arith.truncf %exp3A_92 : vector<1x1024xf32> to vector<1x1024xbf16>
    %mul3A_94 = arith.constant 2.000000e-01 : f32
    %mul3A_95 = vector.broadcast %mul3A_94 : f32 to vector<1x1024xf32>
    %mul3A_96 = arith.mulf %mul3A_95, %dot_general3A_68 : vector<1x1024xf32>
    %exp3A_97 = math.exp %mul3A_96 : vector<1x1024xf32>
    %convert_element_type3A_98 = arith.truncf %exp3A_97 : vector<1x1024xf32> to vector<1x1024xbf16>
    %mul3A_99 = vector.broadcast %convert_element_type3A_85 : vector<2048x1xbf16> to vector<2048x1024xbf16>
    %mul3A_100 = vector.broadcast %convert_element_type3A_93 : vector<1x1024xbf16> to vector<2048x1024xbf16>
    %mul3A_101 = arith.mulf %mul3A_99, %mul3A_100 : vector<2048x1024xbf16>
    %mul3A_102 = vector.broadcast %convert_element_type3A_91 : vector<2048x1xbf16> to vector<2048x1024xbf16>
    %mul3A_103 = vector.broadcast %convert_element_type3A_98 : vector<1x1024xbf16> to vector<2048x1024xbf16>
    %mul3A_104 = arith.mulf %mul3A_102, %mul3A_103 : vector<2048x1024xbf16>
    %max3A = arith.maximumf %mul3A_101, %mul3A_104 : vector<2048x1024xbf16>
    %mul3A_105 = arith.mulf %max3A, %transpose3A : vector<2048x1024xbf16>
    %broadcast_in_dim3A_106 = arith.constant 1.000000e+00 : f32
    %broadcast_in_dim3A_107 = vector.broadcast %broadcast_in_dim3A_106 : f32 to vector<1024x1xf32>
    %concatenate3A_108 = tpu.concatenate %select_n3A_62, %broadcast_in_dim3A_107 in 1 : vector<1024x64xf32>, vector<1024x1xf32> -> vector<1024x65xf32>
    %convert_element_type3A_109 = arith.truncf %concatenate3A_108 : vector<1024x65xf32> to vector<1024x65xbf16>
    %dot_general3A_110 = arith.constant dense<0.000000e+00> : vector<2048x65xf32>
    %dot_general3A_111 = tpu.matmul %mul3A_105, %convert_element_type3A_109, %dot_general3A_110 {dimension_numbers = #tpu.dot_dimension_numbers<[1], [0], [0], [1], [0, 0, 1, 1], [], []>, transpose_lhs_hint = false} : vector<2048x1024xbf16>, vector<1024x65xbf16>, vector<2048x65xf32> -> vector<2048x65xf32>
    %slice3A_112 = vector.extract_strided_slice %dot_general3A_111 {offsets = [0, 64], sizes = [2048, 1], strides = [1, 1]} : vector<2048x65xf32> to vector<2048x1xf32>
    %reduce_sum3A_113 = arith.constant dense<0.000000e+00> : vector<64xf32>
    %reduce_sum3A_114 = vector.multi_reduction <add>, %select_n3A_62, %reduce_sum3A_113 [0] : vector<1024x64xf32> to vector<64xf32>
    %broadcast_in_dim3A_115 = vector.shape_cast %reduce_sum3A_114 : vector<64xf32> to vector<1x64xf32>
    %div3A_116 = arith.constant 1.024000e+03 : f32
    %div3A_117 = vector.broadcast %div3A_116 : f32 to vector<1x64xf32>
    %div3A_118 = arith.divf %broadcast_in_dim3A_115, %div3A_117 : vector<1x64xf32>
    %gt3A_119 = arith.constant 0.000000e+00 : f32
    %gt3A_120 = vector.broadcast %gt3A_119 : f32 to vector<2048x1xf32>
    %gt3A_121 = arith.cmpf ogt, %slice3A_112, %gt3A_120 : vector<2048x1xf32>
    %jit3A_122 = arith.constant 1.000000e+00 : f32
    %broadcast_in_dim3A_123 = vector.broadcast %jit3A_122 : f32 to vector<2048x1xf32>
    %select_n3A_124 = arith.select %gt3A_121, %slice3A_112, %broadcast_in_dim3A_123 : vector<2048x1xi1>, vector<2048x1xf32>
    %div3A_125 = arith.constant 1.000000e+00 : f32
    %div3A_126 = vector.broadcast %div3A_125 : f32 to vector<2048x1xf32>
    %div3A_127 = arith.divf %div3A_126, %select_n3A_124 : vector<2048x1xf32>
    %slice3A_128 = vector.extract_strided_slice %dot_general3A_111 {offsets = [0, 0], sizes = [2048, 64], strides = [1, 1]} : vector<2048x65xf32> to vector<2048x64xf32>
    %mul3A_129 = vector.broadcast %div3A_127 : vector<2048x1xf32> to vector<2048x64xf32>
    %mul3A_130 = arith.mulf %slice3A_128, %mul3A_129 : vector<2048x64xf32>
    %broadcast_in_dim3A_131 = vector.shape_cast %gt3A_121 : vector<2048x1xi1> to vector<2048x1xi1>
    %broadcast_in_dim3A_132 = vector.broadcast %broadcast_in_dim3A_131 : vector<2048x1xi1> to vector<2048x64xi1>
    %broadcast_in_dim3A_133 = vector.shape_cast %div3A_118 : vector<1x64xf32> to vector<1x64xf32>
    %broadcast_in_dim3A_134 = vector.broadcast %broadcast_in_dim3A_133 : vector<1x64xf32> to vector<2048x64xf32>
    %select_n3A_135 = arith.select %broadcast_in_dim3A_132, %mul3A_130, %broadcast_in_dim3A_134 : vector<2048x64xi1>, vector<2048x64xf32>
    %gt3A_136 = arith.constant 0.000000e+00 : f32
    %gt3A_137 = vector.broadcast %gt3A_136 : f32 to vector<2048x64xf32>
    %gt3A_138 = arith.cmpf ogt, %select_n3A_135, %gt3A_137 : vector<2048x64xf32>
    %exp3A_139 = math.exp %select_n3A_135 : vector<2048x64xf32>
    %sub3A_140 = arith.constant 1.000000e+00 : f32
    %sub3A_141 = vector.broadcast %sub3A_140 : f32 to vector<2048x64xf32>
    %sub3A_142 = arith.subf %exp3A_139, %sub3A_141 : vector<2048x64xf32>
    %select_n3A_143 = arith.select %gt3A_138, %select_n3A_135, %sub3A_142 : vector<2048x64xi1>, vector<2048x64xf32>
    %get3A_144 = arith.constant 0 : index
    %get3A_145 = arith.constant 0 : index
    %get3A_146 = vector.load %arg5[%get3A_144, %get3A_145] : memref<64x64xf32, #tpu.memory_space<vmem>>, vector<64x64xf32>
    %get3A_147 = arith.constant 0 : index
    %get3A_148 = arith.constant 0 : index
    %get3A_149 = vector.load %arg6[%get3A_147, %get3A_148] : memref<64x64xf32, #tpu.memory_space<vmem>>, vector<64x64xf32>
    %get3A_150 = arith.constant 0 : index
    %get3A_151 = arith.constant 0 : index
    %get3A_152 = vector.load %arg7[%get3A_150, %get3A_151] : memref<64x64xf32, #tpu.memory_space<vmem>>, vector<64x64xf32>
    %slice3A_153 = vector.extract_strided_slice %get3A_9 {offsets = [5, 0], sizes = [1, 64], strides = [1, 1]} : vector<16x64xf32> to vector<1x64xf32>
    %slice3A_154 = vector.extract_strided_slice %get3A_9 {offsets = [6, 0], sizes = [1, 64], strides = [1, 1]} : vector<16x64xf32> to vector<1x64xf32>
    %slice3A_155 = vector.extract_strided_slice %get3A_9 {offsets = [7, 0], sizes = [1, 64], strides = [1, 1]} : vector<16x64xf32> to vector<1x64xf32>
    %slice3A_156 = vector.extract_strided_slice %get3A_9 {offsets = [8, 0], sizes = [1, 64], strides = [1, 1]} : vector<16x64xf32> to vector<1x64xf32>
    %slice3A_157 = vector.extract_strided_slice %get3A_9 {offsets = [9, 0], sizes = [1, 64], strides = [1, 1]} : vector<16x64xf32> to vector<1x64xf32>
    %dot_general3A_158 = arith.constant dense<0.000000e+00> : vector<2048x64xf32>
    %dot_general3A_159 = tpu.matmul %select_n3A_143, %get3A_149, %dot_general3A_158 {dimension_numbers = #tpu.dot_dimension_numbers<[1], [0], [0], [1], [0, 0, 1, 1], [], []>, transpose_lhs_hint = false} : vector<2048x64xf32>, vector<64x64xf32>, vector<2048x64xf32> -> vector<2048x64xf32>
    %dot_general3A_160 = arith.constant dense<0.000000e+00> : vector<2048x64xf32>
    %dot_general3A_161 = tpu.matmul %select_n3A_143, %get3A_146, %dot_general3A_160 {dimension_numbers = #tpu.dot_dimension_numbers<[1], [0], [0], [1], [0, 0, 1, 1], [], []>, transpose_lhs_hint = false} : vector<2048x64xf32>, vector<64x64xf32>, vector<2048x64xf32> -> vector<2048x64xf32>
    %mul3A_162 = arith.mulf %slice3A_154, %slice3A_153 : vector<1x64xf32>
    %reduce_sum3A_163 = vector.shape_cast %mul3A_162 : vector<1x64xf32> to vector<1x1x64xf32>
    %reduce_sum3A_164 = arith.constant dense<0.000000e+00> : vector<1xf32>
    %reduce_sum3A_165 = vector.multi_reduction <add>, %reduce_sum3A_163, %reduce_sum3A_164 [1, 2] : vector<1x1x64xf32> to vector<1xf32>
    %reduce_sum3A_166 = vector.shape_cast %reduce_sum3A_165 : vector<1xf32> to vector<1x1x1xf32>
    %reduce_sum3A_167 = vector.extract %reduce_sum3A_166[0, 0, 0] : f32 from vector<1x1x1xf32>
    %dot_general3A_168 = arith.constant dense<0.000000e+00> : vector<2048x1xf32>
    %dot_general3A_169 = tpu.matmul %dot_general3A_159, %slice3A_155, %dot_general3A_168 {dimension_numbers = #tpu.dot_dimension_numbers<[1], [1], [0], [0], [0, 0, 1, 0], [], []>, transpose_lhs_hint = false} : vector<2048x64xf32>, vector<1x64xf32>, vector<2048x1xf32> -> vector<2048x1xf32>
    %add3A_170 = vector.broadcast %reduce_sum3A_167 : f32 to vector<2048x1xf32>
    %add3A_171 = arith.addf %add3A_170, %dot_general3A_169 : vector<2048x1xf32>
    %ge3A_172 = arith.constant 0.000000e+00 : f32
    %ge3A_173 = vector.broadcast %ge3A_172 : f32 to vector<2048x1xf32>
    %ge3A_174 = arith.cmpf oge, %add3A_171, %ge3A_173 : vector<2048x1xf32>
    %mul3A_175 = arith.constant 2.000000e-01 : f32
    %mul3A_176 = vector.broadcast %mul3A_175 : f32 to vector<2048x1xf32>
    %mul3A_177 = arith.mulf %mul3A_176, %add3A_171 : vector<2048x1xf32>
    %select_n3A_178 = arith.select %ge3A_174, %add3A_171, %mul3A_177 : vector<2048x1xi1>, vector<2048x1xf32>
    %reduce_max3A_179 = vector.shape_cast %select_n3A_178 : vector<2048x1xf32> to vector<1x2048x1xf32>
    %reduce_max3A_180 = arith.constant dense<0xFF800000> : vector<1xf32>
    %reduce_max3A_181 = vector.multi_reduction <maximumf>, %reduce_max3A_179, %reduce_max3A_180 [1, 2] : vector<1x2048x1xf32> to vector<1xf32>
    %reduce_max3A_182 = vector.shape_cast %reduce_max3A_181 : vector<1xf32> to vector<1x1x1xf32>
    %reduce_max3A_183 = vector.extract %reduce_max3A_182[0, 0, 0] : f32 from vector<1x1x1xf32>
    %sub3A_184 = vector.broadcast %reduce_max3A_183 : f32 to vector<2048x1xf32>
    %sub3A_185 = arith.subf %select_n3A_178, %sub3A_184 : vector<2048x1xf32>
    %exp3A_186 = math.exp %sub3A_185 : vector<2048x1xf32>
    %mul3A_187 = vector.broadcast %exp3A_186 : vector<2048x1xf32> to vector<2048x64xf32>
    %mul3A_188 = arith.mulf %dot_general3A_161, %mul3A_187 : vector<2048x64xf32>
    %concatenate3A_189 = tpu.concatenate %mul3A_188, %exp3A_186 in 1 : vector<2048x64xf32>, vector<2048x1xf32> -> vector<2048x65xf32>
    %convert_element_type3A_190 = arith.truncf %concatenate3A_189 : vector<2048x65xf32> to vector<2048x65xbf16>
    %dot_general3A_191 = arith.constant dense<0.000000e+00> : vector<1024x65xf32>
    %dot_general3A_192 = tpu.matmul %convert_element_type3A, %convert_element_type3A_190, %dot_general3A_191 {dimension_numbers = #tpu.dot_dimension_numbers<[1], [0], [0], [1], [0, 0, 1, 1], [], []>, transpose_lhs_hint = false} : vector<1024x2048xbf16>, vector<2048x65xbf16>, vector<1024x65xf32> -> vector<1024x65xf32>
    %slice3A_193 = vector.extract_strided_slice %dot_general3A_192 {offsets = [0, 64], sizes = [1024, 1], strides = [1, 1]} : vector<1024x65xf32> to vector<1024x1xf32>
    %reduce_sum3A_194 = arith.constant dense<0.000000e+00> : vector<64xf32>
    %reduce_sum3A_195 = vector.multi_reduction <add>, %dot_general3A_161, %reduce_sum3A_194 [0] : vector<2048x64xf32> to vector<64xf32>
    %broadcast_in_dim3A_196 = vector.shape_cast %reduce_sum3A_195 : vector<64xf32> to vector<1x64xf32>
    %div3A_197 = arith.constant 2.048000e+03 : f32
    %div3A_198 = vector.broadcast %div3A_197 : f32 to vector<1x64xf32>
    %div3A_199 = arith.divf %broadcast_in_dim3A_196, %div3A_198 : vector<1x64xf32>
    %gt3A_200 = arith.constant 0.000000e+00 : f32
    %gt3A_201 = vector.broadcast %gt3A_200 : f32 to vector<1024x1xf32>
    %gt3A_202 = arith.cmpf ogt, %slice3A_193, %gt3A_201 : vector<1024x1xf32>
    %jit3A_203 = arith.constant 1.000000e+00 : f32
    %broadcast_in_dim3A_204 = vector.broadcast %jit3A_203 : f32 to vector<1024x1xf32>
    %select_n3A_205 = arith.select %gt3A_202, %slice3A_193, %broadcast_in_dim3A_204 : vector<1024x1xi1>, vector<1024x1xf32>
    %div3A_206 = arith.constant 1.000000e+00 : f32
    %div3A_207 = vector.broadcast %div3A_206 : f32 to vector<1024x1xf32>
    %div3A_208 = arith.divf %div3A_207, %select_n3A_205 : vector<1024x1xf32>
    %slice3A_209 = vector.extract_strided_slice %dot_general3A_192 {offsets = [0, 0], sizes = [1024, 64], strides = [1, 1]} : vector<1024x65xf32> to vector<1024x64xf32>
    %mul3A_210 = vector.broadcast %div3A_208 : vector<1024x1xf32> to vector<1024x64xf32>
    %mul3A_211 = arith.mulf %slice3A_209, %mul3A_210 : vector<1024x64xf32>
    %broadcast_in_dim3A_212 = vector.shape_cast %gt3A_202 : vector<1024x1xi1> to vector<1024x1xi1>
    %broadcast_in_dim3A_213 = vector.broadcast %broadcast_in_dim3A_212 : vector<1024x1xi1> to vector<1024x64xi1>
    %broadcast_in_dim3A_214 = vector.shape_cast %div3A_199 : vector<1x64xf32> to vector<1x64xf32>
    %broadcast_in_dim3A_215 = vector.broadcast %broadcast_in_dim3A_214 : vector<1x64xf32> to vector<1024x64xf32>
    %select_n3A_216 = arith.select %broadcast_in_dim3A_213, %mul3A_211, %broadcast_in_dim3A_215 : vector<1024x64xi1>, vector<1024x64xf32>
    %dot_general3A_217 = arith.constant dense<0.000000e+00> : vector<1024x64xf32>
    %dot_general3A_218 = tpu.matmul %select_n3A_216, %get3A_152, %dot_general3A_217 {dimension_numbers = #tpu.dot_dimension_numbers<[1], [0], [0], [1], [0, 0, 1, 1], [], []>, transpose_lhs_hint = false} : vector<1024x64xf32>, vector<64x64xf32>, vector<1024x64xf32> -> vector<1024x64xf32>
    %dot_general3A_219 = arith.constant dense<0.000000e+00> : vector<2048x1xf32>
    %dot_general3A_220 = tpu.matmul %dot_general3A_159, %slice3A_156, %dot_general3A_219 {dimension_numbers = #tpu.dot_dimension_numbers<[1], [1], [0], [0], [0, 0, 1, 0], [], []>, transpose_lhs_hint = false} : vector<2048x64xf32>, vector<1x64xf32>, vector<2048x1xf32> -> vector<2048x1xf32>
    %dot_general3A_221 = arith.constant dense<0.000000e+00> : vector<1x1024xf32>
    %dot_general3A_222 = tpu.matmul %slice3A_157, %dot_general3A_218, %dot_general3A_221 {dimension_numbers = #tpu.dot_dimension_numbers<[1], [1], [0], [0], [0, 0, 1, 0], [], []>, transpose_lhs_hint = false} : vector<1x64xf32>, vector<1024x64xf32>, vector<1x1024xf32> -> vector<1x1024xf32>
    %reduce_max3A_223 = vector.shape_cast %dot_general3A_222 : vector<1x1024xf32> to vector<1x1x1024xf32>
    %reduce_max3A_224 = arith.constant dense<0xFF800000> : vector<1xf32>
    %reduce_max3A_225 = vector.multi_reduction <maximumf>, %reduce_max3A_223, %reduce_max3A_224 [1, 2] : vector<1x1x1024xf32> to vector<1xf32>
    %reduce_max3A_226 = vector.shape_cast %reduce_max3A_225 : vector<1xf32> to vector<1x1x1xf32>
    %reduce_max3A_227 = vector.extract %reduce_max3A_226[0, 0, 0] : f32 from vector<1x1x1xf32>
    %add3A_228 = vector.broadcast %reduce_max3A_227 : f32 to vector<2048x1xf32>
    %add3A_229 = arith.addf %dot_general3A_220, %add3A_228 : vector<2048x1xf32>
    %ge3A_230 = arith.constant 0.000000e+00 : f32
    %ge3A_231 = vector.broadcast %ge3A_230 : f32 to vector<2048x1xf32>
    %ge3A_232 = arith.cmpf oge, %add3A_229, %ge3A_231 : vector<2048x1xf32>
    %mul3A_233 = arith.constant 2.000000e-01 : f32
    %mul3A_234 = vector.broadcast %mul3A_233 : f32 to vector<2048x1xf32>
    %mul3A_235 = arith.mulf %mul3A_234, %add3A_229 : vector<2048x1xf32>
    %select_n3A_236 = arith.select %ge3A_232, %add3A_229, %mul3A_235 : vector<2048x1xi1>, vector<2048x1xf32>
    %sub3A_237 = arith.subf %dot_general3A_220, %select_n3A_236 : vector<2048x1xf32>
    %exp3A_238 = math.exp %sub3A_237 : vector<2048x1xf32>
    %convert_element_type3A_239 = arith.truncf %exp3A_238 : vector<2048x1xf32> to vector<2048x1xbf16>
    %mul3A_240 = arith.constant 2.000000e-01 : f32
    %mul3A_241 = vector.broadcast %mul3A_240 : f32 to vector<2048x1xf32>
    %mul3A_242 = arith.mulf %mul3A_241, %dot_general3A_220 : vector<2048x1xf32>
    %sub3A_243 = arith.subf %mul3A_242, %select_n3A_236 : vector<2048x1xf32>
    %exp3A_244 = math.exp %sub3A_243 : vector<2048x1xf32>
    %convert_element_type3A_245 = arith.truncf %exp3A_244 : vector<2048x1xf32> to vector<2048x1xbf16>
    %exp3A_246 = math.exp %dot_general3A_222 : vector<1x1024xf32>
    %convert_element_type3A_247 = arith.truncf %exp3A_246 : vector<1x1024xf32> to vector<1x1024xbf16>
    %mul3A_248 = arith.constant 2.000000e-01 : f32
    %mul3A_249 = vector.broadcast %mul3A_248 : f32 to vector<1x1024xf32>
    %mul3A_250 = arith.mulf %mul3A_249, %dot_general3A_222 : vector<1x1024xf32>
    %exp3A_251 = math.exp %mul3A_250 : vector<1x1024xf32>
    %convert_element_type3A_252 = arith.truncf %exp3A_251 : vector<1x1024xf32> to vector<1x1024xbf16>
    %mul3A_253 = vector.broadcast %convert_element_type3A_239 : vector<2048x1xbf16> to vector<2048x1024xbf16>
    %mul3A_254 = vector.broadcast %convert_element_type3A_247 : vector<1x1024xbf16> to vector<2048x1024xbf16>
    %mul3A_255 = arith.mulf %mul3A_253, %mul3A_254 : vector<2048x1024xbf16>
    %mul3A_256 = vector.broadcast %convert_element_type3A_245 : vector<2048x1xbf16> to vector<2048x1024xbf16>
    %mul3A_257 = vector.broadcast %convert_element_type3A_252 : vector<1x1024xbf16> to vector<2048x1024xbf16>
    %mul3A_258 = arith.mulf %mul3A_256, %mul3A_257 : vector<2048x1024xbf16>
    %max3A_259 = arith.maximumf %mul3A_255, %mul3A_258 : vector<2048x1024xbf16>
    %mul3A_260 = arith.mulf %max3A_259, %transpose3A : vector<2048x1024xbf16>
    %broadcast_in_dim3A_261 = arith.constant 1.000000e+00 : f32
    %broadcast_in_dim3A_262 = vector.broadcast %broadcast_in_dim3A_261 : f32 to vector<1024x1xf32>
    %concatenate3A_263 = tpu.concatenate %select_n3A_216, %broadcast_in_dim3A_262 in 1 : vector<1024x64xf32>, vector<1024x1xf32> -> vector<1024x65xf32>
    %convert_element_type3A_264 = arith.truncf %concatenate3A_263 : vector<1024x65xf32> to vector<1024x65xbf16>
    %dot_general3A_265 = arith.constant dense<0.000000e+00> : vector<2048x65xf32>
    %dot_general3A_266 = tpu.matmul %mul3A_260, %convert_element_type3A_264, %dot_general3A_265 {dimension_numbers = #tpu.dot_dimension_numbers<[1], [0], [0], [1], [0, 0, 1, 1], [], []>, transpose_lhs_hint = false} : vector<2048x1024xbf16>, vector<1024x65xbf16>, vector<2048x65xf32> -> vector<2048x65xf32>
    %slice3A_267 = vector.extract_strided_slice %dot_general3A_266 {offsets = [0, 64], sizes = [2048, 1], strides = [1, 1]} : vector<2048x65xf32> to vector<2048x1xf32>
    %reduce_sum3A_268 = arith.constant dense<0.000000e+00> : vector<64xf32>
    %reduce_sum3A_269 = vector.multi_reduction <add>, %select_n3A_216, %reduce_sum3A_268 [0] : vector<1024x64xf32> to vector<64xf32>
    %broadcast_in_dim3A_270 = vector.shape_cast %reduce_sum3A_269 : vector<64xf32> to vector<1x64xf32>
    %div3A_271 = arith.constant 1.024000e+03 : f32
    %div3A_272 = vector.broadcast %div3A_271 : f32 to vector<1x64xf32>
    %div3A_273 = arith.divf %broadcast_in_dim3A_270, %div3A_272 : vector<1x64xf32>
    %gt3A_274 = arith.constant 0.000000e+00 : f32
    %gt3A_275 = vector.broadcast %gt3A_274 : f32 to vector<2048x1xf32>
    %gt3A_276 = arith.cmpf ogt, %slice3A_267, %gt3A_275 : vector<2048x1xf32>
    %jit3A_277 = arith.constant 1.000000e+00 : f32
    %broadcast_in_dim3A_278 = vector.broadcast %jit3A_277 : f32 to vector<2048x1xf32>
    %select_n3A_279 = arith.select %gt3A_276, %slice3A_267, %broadcast_in_dim3A_278 : vector<2048x1xi1>, vector<2048x1xf32>
    %div3A_280 = arith.constant 1.000000e+00 : f32
    %div3A_281 = vector.broadcast %div3A_280 : f32 to vector<2048x1xf32>
    %div3A_282 = arith.divf %div3A_281, %select_n3A_279 : vector<2048x1xf32>
    %slice3A_283 = vector.extract_strided_slice %dot_general3A_266 {offsets = [0, 0], sizes = [2048, 64], strides = [1, 1]} : vector<2048x65xf32> to vector<2048x64xf32>
    %mul3A_284 = vector.broadcast %div3A_282 : vector<2048x1xf32> to vector<2048x64xf32>
    %mul3A_285 = arith.mulf %slice3A_283, %mul3A_284 : vector<2048x64xf32>
    %broadcast_in_dim3A_286 = vector.shape_cast %gt3A_276 : vector<2048x1xi1> to vector<2048x1xi1>
    %broadcast_in_dim3A_287 = vector.broadcast %broadcast_in_dim3A_286 : vector<2048x1xi1> to vector<2048x64xi1>
    %broadcast_in_dim3A_288 = vector.shape_cast %div3A_273 : vector<1x64xf32> to vector<1x64xf32>
    %broadcast_in_dim3A_289 = vector.broadcast %broadcast_in_dim3A_288 : vector<1x64xf32> to vector<2048x64xf32>
    %select_n3A_290 = arith.select %broadcast_in_dim3A_287, %mul3A_285, %broadcast_in_dim3A_289 : vector<2048x64xi1>, vector<2048x64xf32>
    %reduce_sum3A_291 = arith.constant dense<0.000000e+00> : vector<64xf32>
    %reduce_sum3A_292 = vector.multi_reduction <add>, %select_n3A_290, %reduce_sum3A_291 [0] : vector<2048x64xf32> to vector<64xf32>
    %broadcast_in_dim3A_293 = vector.shape_cast %reduce_sum3A_292 : vector<64xf32> to vector<1x64xf32>
    %broadcast_in_dim3A_294 = arith.constant 1.000000e+00 : f32
    %broadcast_in_dim3A_295 = vector.broadcast %broadcast_in_dim3A_294 : f32 to vector<1x1xf32>
    %broadcast_in_dim3A_296 = arith.constant 0.000000e+00 : f32
    %broadcast_in_dim3A_297 = vector.broadcast %broadcast_in_dim3A_296 : f32 to vector<1x7xf32>
    %concatenate3A_298 = tpu.concatenate %broadcast_in_dim3A_293, %broadcast_in_dim3A_295, %broadcast_in_dim3A_297 in 1 : vector<1x64xf32>, vector<1x1xf32>, vector<1x7xf32> -> vector<1x72xf32>
    %get3A_299 = arith.constant 0 : index
    %get3A_300 = arith.constant 0 : index
    %get3A_301 = vector.load %arg9[%get3A_299, %get3A_300] : memref<72x128xf32, #tpu.memory_space<vmem>>, vector<72x128xf32>
    %dot_general3A_302 = arith.constant dense<0.000000e+00> : vector<1x128xf32>
    %dot_general3A_303 = tpu.matmul %concatenate3A_298, %get3A_301, %dot_general3A_302 {dimension_numbers = #tpu.dot_dimension_numbers<[1], [0], [0], [1], [0, 0, 1, 1], [], []>, transpose_lhs_hint = false} : vector<1x72xf32>, vector<72x128xf32>, vector<1x128xf32> -> vector<1x128xf32>
    %iota3A = tpu.iota {dimensions = array<i32: 1>} : vector<1x128xi32>
    %lt3A = arith.constant 16 : i32
    %lt3A_304 = vector.broadcast %lt3A : i32 to vector<1x128xi32>
    %lt3A_305 = arith.cmpi slt, %iota3A, %lt3A_304 : vector<1x128xi32>
    %jit3A_306 = arith.constant 0xFF800000 : f32
    %broadcast_in_dim3A_307 = vector.broadcast %jit3A_306 : f32 to vector<1x128xf32>
    %select_n3A_308 = arith.select %lt3A_305, %dot_general3A_303, %broadcast_in_dim3A_307 : vector<1x128xi1>, vector<1x128xf32>
    %reduce_max3A_309 = vector.shape_cast %select_n3A_308 : vector<1x128xf32> to vector<1x1x128xf32>
    %reduce_max3A_310 = arith.constant dense<0xFF800000> : vector<1xf32>
    %reduce_max3A_311 = vector.multi_reduction <maximumf>, %reduce_max3A_309, %reduce_max3A_310 [1, 2] : vector<1x1x128xf32> to vector<1xf32>
    %reduce_max3A_312 = vector.shape_cast %reduce_max3A_311 : vector<1xf32> to vector<1x1x1xf32>
    %reduce_max3A_313 = vector.extract %reduce_max3A_312[0, 0, 0] : f32 from vector<1x1x1xf32>
    %sub3A_314 = vector.broadcast %reduce_max3A_313 : f32 to vector<1x128xf32>
    %sub3A_315 = arith.subf %dot_general3A_303, %sub3A_314 : vector<1x128xf32>
    %exp3A_316 = math.exp %sub3A_315 : vector<1x128xf32>
    %jit3A_317 = arith.constant 0.000000e+00 : f32
    %broadcast_in_dim3A_318 = vector.broadcast %jit3A_317 : f32 to vector<1x128xf32>
    %select_n3A_319 = arith.select %lt3A_305, %exp3A_316, %broadcast_in_dim3A_318 : vector<1x128xi1>, vector<1x128xf32>
    %reduce_sum3A_320 = vector.shape_cast %select_n3A_319 : vector<1x128xf32> to vector<1x1x128xf32>
    %reduce_sum3A_321 = arith.constant dense<0.000000e+00> : vector<1xf32>
    %reduce_sum3A_322 = vector.multi_reduction <add>, %reduce_sum3A_320, %reduce_sum3A_321 [1, 2] : vector<1x1x128xf32> to vector<1xf32>
    %reduce_sum3A_323 = vector.shape_cast %reduce_sum3A_322 : vector<1xf32> to vector<1x1x1xf32>
    %reduce_sum3A_324 = vector.extract %reduce_sum3A_323[0, 0, 0] : f32 from vector<1x1x1xf32>
    %log3A = math.log %reduce_sum3A_324 : f32
    %sub3A_325 = vector.broadcast %reduce_max3A_313 : f32 to vector<1x128xf32>
    %sub3A_326 = arith.subf %dot_general3A_303, %sub3A_325 : vector<1x128xf32>
    %sub3A_327 = vector.broadcast %log3A : f32 to vector<1x128xf32>
    %sub3A_328 = arith.subf %sub3A_326, %sub3A_327 : vector<1x128xf32>
    %swap3A = arith.constant 0 : index
    %swap3A_329 = arith.constant 0 : index
    %swap3A_330 = arith.constant 0 : index
    %swap3A_331 = vector.load %arg10[%swap3A, %swap3A_329, %swap3A_330] : memref<1x1x128xf32, #tpu.memory_space<vmem>>, vector<1x1x128xf32>
    %swap3A_332 = vector.shape_cast %swap3A_331 : vector<1x1x128xf32> to vector<1x128xf32>
    %swap3A_333 = vector.shape_cast %sub3A_328 : vector<1x128xf32> to vector<1x1x128xf32>
    tpu.vector_store %arg10[%swap3A, %swap3A_329, %swap3A_330], %swap3A_333 {strides = array<i32>} : memref<1x1x128xf32, #tpu.memory_space<vmem>>, vector<1x1x128xf32>,
    return
  }
  func.func @transform_0(%arg0: i32) -> (i32, i32) {
    %c0_i32 = arith.constant 0 : i32
    %c0_i32_0 = arith.constant 0 : i32
    return %arg0, %c0_i32 : i32, i32
  }
  func.func @transform_1(%arg0: i32) -> (i32, i32, i32) {
    %c0_i32 = arith.constant 0 : i32
    %c0_i32_0 = arith.constant 0 : i32
    %c0_i32_1 = arith.constant 0 : i32
    return %arg0, %c0_i32, %c0_i32_0 : i32, i32, i32
  }
  func.func @transform_2(%arg0: i32) -> (i32, i32) {
    %c0_i32 = arith.constant 0 : i32
    %c0_i32_0 = arith.constant 0 : i32
    %c0_i32_1 = arith.constant 0 : i32
    return %c0_i32, %c0_i32_0 : i32, i32
  }
  func.func @transform_3(%arg0: i32) -> (i32, i32) {
    %c0_i32 = arith.constant 0 : i32
    %c0_i32_0 = arith.constant 0 : i32
    %c0_i32_1 = arith.constant 0 : i32
    return %c0_i32, %c0_i32_0 : i32, i32
  }
  func.func @transform_4(%arg0: i32) -> (i32, i32) {
    %c0_i32 = arith.constant 0 : i32
    %c0_i32_0 = arith.constant 0 : i32
    %c0_i32_1 = arith.constant 0 : i32
    return %c0_i32, %c0_i32_0 : i32, i32
  }
  func.func @transform_5(%arg0: i32) -> (i32, i32) {
    %c0_i32 = arith.constant 0 : i32
    %c0_i32_0 = arith.constant 0 : i32
    %c0_i32_1 = arith.constant 0 : i32
    return %c0_i32, %c0_i32_0 : i32, i32
  }
  func.func @transform_6(%arg0: i32) -> (i32, i32) {
    %c0_i32 = arith.constant 0 : i32
    %c0_i32_0 = arith.constant 0 : i32
    %c0_i32_1 = arith.constant 0 : i32
    return %c0_i32, %c0_i32_0 : i32, i32
  }
  func.func @transform_7(%arg0: i32) -> (i32, i32) {
    %c0_i32 = arith.constant 0 : i32
    %c0_i32_0 = arith.constant 0 : i32
    %c0_i32_1 = arith.constant 0 : i32
    return %c0_i32, %c0_i32_0 : i32, i32
  }
  func.func @transform_8(%arg0: i32) -> (i32, i32) {
    %c0_i32 = arith.constant 0 : i32
    %c0_i32_0 = arith.constant 0 : i32
    %c0_i32_1 = arith.constant 0 : i32
    return %c0_i32, %c0_i32_0 : i32, i32
  }
  func.func @transform_9(%arg0: i32) -> (i32, i32, i32) {
    %c0_i32 = arith.constant 0 : i32
    %c0_i32_0 = arith.constant 0 : i32
    %c0_i32_1 = arith.constant 0 : i32
    return %arg0, %c0_i32, %c0_i32_0 : i32, i32, i32
  }
}

</mosaic_0001>

<sc_bundles>
// kernel: gather_offload_async_start
scs
__scs_entry_jumppad:
0x0: {  	(pc) =	sbr.rel $0x88, $3  }
0x1: {  	(tag) =	ssettag $0x0;
	lr =	simm.s32 $0x1  }
0x2: {  	[smem:$0x3F91] =	sst lr;
	_ =	strace $0xD0000000  }
0x3: {  	_ = 	snop  }
0x4: {  	_ = 	snop  }
0x5: {  	_ = 	snop  }
0x6: {  	_ = 	snop  }
0x7: {  	_ = 	snop  }
__scs_overlays_trampoline_lowered:
0x8: {  	[smem:$0x3FA0] =	sst s0  }
0x9: {  	[smem:$0x3FA1] =	sst s1  }
0xa: {  	[smem:$0x3FA2] =	sst s2  }
0xb: {  	[smem:$0x3FA3] =	sst s3  }
0xc: {  	[smem:$0x3FA4] =	sst s4  }
0xd: {  	[smem:$0x3FA5] =	sst s5  }
0xe: {  	[smem:$0x3FA6] =	sst s6  }
0xf: {  	[smem:$0x3FA7] =	sst s7  }
0x10: {  	[smem:$0x3FA8] =	sst s8  }
0x11: {  	[smem:$0x3FA9] =	sst s9;
	s0 =	simm.s32 @!p0 $0x0  }
0x12: {  	s1 =	sld [smem:$0x3F8F];
	s0 =	simm.s32 @p0 $0x1  }
0x13: {  	[smem:$0x3FAA] =	sst s0;
	s0 =	simm.s32 @!p1 $0x0  }
0x14: {  	s2 =	sld [smem:$0x3F8E];
	s0 =	simm.s32 @p1 $0x1  }
0x15: {  	[smem:$0x3FAB] =	sst s0;
	s0 =	simm.s32 @!p2 $0x0  }
0x16: {  	s3 =	sld [smem:$0x3FDB];
	s0 =	simm.s32 @p2 $0x1  }
0x17: {  	s4 =	simm.s32 $0x1BF5;
	[smem:$0x3FAD] =	sst s0  }
0x18: {  	s0 =	sld [smem:$0x3F90];
	_ =	swait.ge [sflag:s4], $0x0  }
0x19: {  	s7 =	sld [smem:$0x3F91]  }
0x1a: {  	s8 =	sadd.s32 $0xFFFFE003, lr  }
0x1b: {  	s9 =	sadd.s32 $0xFFFFFEF7, lr;
	s5 =	simm.s32 $0xFFFFFFFF;
	p2 =	slt.u32 s8, $0xFFFFF086  }
0x1c: {  	p1 =	slt.u32 s9, $0xF7A;
	s5 =	simm.s32 @!p2 $0x0  }
0x1d: {  	s5 =	simm.s32 @p1 $0x1;
	p0 =	seq.s32 s7, s2  }
0x1e: {  	s7 =	smul.u32 @!p0 $0xF7A, s2;
	p2 =	seq.s32 @!p0 s5, $0x0  }
0x1f: {  	s9 =	smul.u32 $0xF7A, s1;
	s8 =	simm.s32 @!p0 $0x1BF5;
	p2 =	por !p2, p0  }
0x20: {  	[sflag:s8] =	ssyncset.s32 @!p0 $0xFFFFF086;
	s6 =	sadd.s32 @!p0 s3, s7;
	s7 =	simm.s32 @!p0 $0x108  }
0x21: {  	s3 =	sadd.s32 s3, s9;
	s6 =	sadd.s32 @!p0 $0x88, s6;
	s7 =	simm.s32 @p2 $0x1082  }
0x22: {  	[simem:s7], [sflag:s8] =	dma.local @!p0 [hbm:s6], $0xF7A  }
0x23: {  	s9 =	sor.u32 $0xD0000000, s2;
	s6 =	simm.s32 $0x108;
	_ =	swait.ge @!p0 [sflag:s8], $0x0  }
0x24: {  	s3 =	sadd.s32 $0x88, s3;
	s6 =	simm.s32 @!p1 $0x1082;
	[sflag:s4] =	ssyncset.s32 $0xFFFFF086  }
0x25: {  	[simem:s6], [sflag:s4] =	dma.local [hbm:s3], $0xF7A  }
0x26: {  	[smem:$0x3F91] =	sst s1;
	(tag) =	ssettag s2;
	_ =	strace s9  }
0x27: {  	s1 =	sld [smem:$0x3FA1]  }
0x28: {  	s2 =	sld [smem:$0x3FA2]  }
0x29: {  	s4 =	sld [smem:$0x3FA4]  }
0x2a: {  	p0 =	seq.s32 s5, $0x0;
	s5 =	sld [smem:$0x3FA5]  }
0x2b: {  	s6 =	sld [smem:$0x3FA6]  }
0x2c: {  	s7 =	sld [smem:$0x3FA7]  }
0x2d: {  	s3 =	simm.s32 $0x108;
	s8 =	sld [smem:$0x3FA8]  }
0x2e: {  	s3 =	simm.s32 @!p0 $0x1082;
	s9 =	sld [smem:$0x3FA9]  }
0x2f: {  	lr =	sadd.s32 s0, s3;
	s0 =	sld [smem:$0x3FA0]  }
0x30: {  	s3 =	sld [smem:$0x3FA3]  }
0x31: {  	[smem:$0x3FAC] =	sst s10  }
0x32: {  	s10 =	sld [smem:$0x3FAA];
	_ =	sdelay $0x3  }
0x33: {  	p0 =	seq.s32 s10, $0x1;
	s10 =	sld [smem:$0x3FAC];
	_ =	sdelay $0x3  }
0x34: {  	[smem:$0x3FAC] =	sst s10  }
0x35: {  	s10 =	sld [smem:$0x3FAB];
	_ =	sdelay $0x3  }
0x36: {  	p1 =	seq.s32 s10, $0x1;
	s10 =	sld [smem:$0x3FAC];
	_ =	sdelay $0x3  }
0x37: {  	[smem:$0x3FAC] =	sst s10  }
0x38: {  	s10 =	sld [smem:$0x3FAD]  }
0x39: {  	_ = 	snop;
	(pc) =	sbr.ind lr, $3  }
0x3a: {  	_ = 	snop  }
0x3b: {  	_ = 	snop  }
0x3c: {  	p2 =	seq.s32 s10, $0x1;
	s10 =	sld [smem:$0x3FAC]  }
0x3d: {  	_ =	shalt  }
0x3e: {  	_ =	shalt  }
0x3f: {  	_ =	shalt  }
0x40: {  	_ =	shalt  }
0x41: {  	_ =	shalt  }
0x42: {  	_ =	shalt  }
0x43: {  	_ =	shalt  }
0x44: {  	_ =	shalt  }
0x45: {  	_ =	shalt  }
0x46: {  	_ =	shalt  }
0x47: {  	_ =	shalt  }
0x48: {  	_ =	shalt  }
0x49: {  	_ =	shalt  }
0x4a: {  	_ =	shalt  }
0x4b: {  	_ =	shalt  }
0x4c: {  	_ =	shalt  }
0x4d: {  	_ =	shalt  }
0x4e: {  	_ =	shalt  }
0x4f: {  	_ =	shalt  }
0x50: {  	_ =	shalt  }
0x51: {  	_ =	shalt  }
0x52: {  	_ =	shalt  }
0x53: {  	_ =	shalt  }
0x54: {  	_ =	shalt  }
0x55: {  	_ =	shalt  }
0x56: {  	_ =	shalt  }
0x57: {  	_ =	shalt  }
0x58: {  	_ =	shalt  }
0x59: {  	_ =	shalt  }
0x5a: {  	_ =	shalt  }
0x5b: {  	_ =	shalt  }
0x5c: {  	_ =	shalt  }
0x5d: {  	_ =	shalt  }
0x5e: {  	_ =	shalt  }
0x5f: {  	_ =	shalt  }
0x60: {  	_ =	shalt  }
0x61: {  	_ =	shalt  }
0x62: {  	_ =	shalt  }
0x63: {  	_ =	shalt  }
0x64: {  	_ =	shalt  }
0x65: {  	_ =	shalt  }
0x66: {  	_ =	shalt  }
0x67: {  	_ =	shalt  }
0x68: {  	_ =	shalt  }
0x69: {  	_ =	shalt  }
0x6a: {  	_ =	shalt  }
0x6b: {  	_ =	shalt  }
0x6c: {  	_ =	shalt  }
0x6d: {  	_ =	shalt  }
0x6e: {  	_ =	shalt  }
0x6f: {  	_ =	shalt  }
0x70: {  	_ =	shalt  }
0x71: {  	_ =	shalt  }
0x72: {  	_ =	shalt  }
0x73: {  	_ =	shalt  }
0x74: {  	_ =	shalt  }
0x75: {  	_ =	shalt  }
0x76: {  	_ =	shalt  }
0x77: {  	_ =	shalt  }
0x78: {  	_ =	shalt  }
0x79: {  	_ =	shalt  }
0x7a: {  	_ =	shalt  }
0x7b: {  	_ =	shalt  }
0x7c: {  	_ =	shalt  }
0x7d: {  	_ =	shalt  }
0x7e: {  	_ =	shalt  }
0x7f: {  	_ =	shalt  }
0x80: {  	_ =	shalt  }
0x81: {  	_ =	shalt  }
0x82: {  	_ =	shalt  }
0x83: {  	_ =	shalt  }
0x84: {  	_ =	shalt  }
0x85: {  	_ =	shalt  }
0x86: {  	_ =	shalt  }
0x87: {  	_ =	shalt  }
.Lfunc_end0:
.L_simem_size_0:
called_computation_lowered:
.L_overlay_start_0:
0x88: {  	s2 =	sld [smem:$0x3FD9]  }
0x89: {  	s3 =	sld [smem:$0x3FFE];
	_ =	sdelay $0x1  }
0x8a: {  	s1 =	srdreg.scid  }
0x8b: {  	s0 =	sand.u32 $0x1, s1  }
0x8c: {  	s16 =	sshll.u32 s0, $0xA;
	s2 =	sadd.s32 s3, s2  }
0x8d: {  	s2 =	sadd.s32 s2, s16  }
0x8e: {  	[smem:$0x3FB8] =	sst s2  }
0x8f: {  	_ = 	snop  }
0x90: {  	(tm) =	ssettm $0x1  }
0x91: {  	s17 =	sld [smem:$0x3FFB];
	_ =	sdelay $0x3  }
0x92: {  	_ =	strace s17  }
0x93: {  	s2 =	sld [smem:$0x3FFC];
	_ =	sdelay $0x3  }
0x94: {  	_ =	strace s2  }
0x95: {  	s2 =	sld [smem:$0x3FFD];
	_ =	sdelay $0x3  }
0x96: {  	_ =	strace s2  }
0x97: {  	_ =	strace $0x8FFFFFFF  }
0x98: {  	s18 =	sld [smem:$0x3FDB];
	_ =	sdelay $0x1  }
0x99: {  	s19 =	simm.s32 $_scs_section_size  }
0x9a: {  	s4 =	simm.s32 $_size__tile_overlayer_lowered;
	s5 =	simm.s32 $_tile_overlayer_lowered  }
0x9b: {  	s22 =	simm.s32 $0x1BFF;
	s21 =	sshll.u32 s5, $0x1;
	s2 =	sadd.s32 s19, s18  }
0x9c: {  	s6 =	simm.s32 $0x0;
	s20 =	sshll.u32 s4, $0x1;
	s4 =	sadd.s32 s21, s2  }
0x9d: {  	[timem:s6], [sflag:s22] =	dma.local [hbm:s4], s20  }
0x9e: {  	_ =	swait.ge [sflag:s22], s20  }
0x9f: {  	s3 =	ssub.s32 $0x0, s20;
	[sflag:s22] =	ssyncset.done $0x0  }
0xa0: {  	[sflag:s22] =	ssyncadd.s32 s3;
	_ =	sdelay $0x1  }
0xa1: {  	s23 =	simm.s32 $0x1B8B  }
0xa2: {  	_ =	swait.ge [sflag:s23], $0x1  }
0xa3: {  	[sflag:s23] =	ssyncset.done $0x0  }
0xa4: {  	s25 =	simm.s32 $0x1B8E;
	s24 =	sld [smem:$0x3FFE];
	[sflag:s23] =	ssyncadd.s32 $0xFFFFFFFF  }
0xa5: {  	s26 =	simm.s32 $execute0_lowered;
	[smem:$0x3FD2] =	sst s25  }
0xa6: {  	s4 =	sshll.u32 s26, $0x1;
	_ =	strace $0x80000046;
	[dreg:$0x1] =	wrdreg $0xFFFFFFFF  }
0xa7: {  	s28 =	simm.s32 $_size_execute0_lowered;
	s2 =	sadd.s32 s2, s4;
	[dreg:$0x0] =	wrdreg $0x0  }
0xa8: {  	s4 =	sshll.u32 s28, $0x1;
	[dreg:$0x2] =	wrdreg s2  }
0xa9: {  	[dreg:$0x3] =	wrdreg s4  }
0xaa: {  	[dreg:$0x4] =	wrdreg $0xC0  }
0xab: {  	_ =	task [dreg:s6], $0x5FFFF  }
0xac: {  	[dreg:$0x1] =	wrdreg $0xFFFFFFFF  }
0xad: {  	[dreg:$0x0] =	wrdreg $0x60  }
0xae: {  	[dreg:$0x2] =	wrdreg s24  }
0xaf: {  	[dreg:$0x3] =	wrdreg $0x9  }
0xb0: {  	_ =	task.clear_ibuf [dreg:s6], $0x4FFFF;
	_ =	strace $0x90000046  }
0xb1: {  	s29 =	simm.s32 $0x9;
	_ =	strace $0x80000048  }
0xb2: {  	_ =	swait.ge [sflag:s29], $0x1  }
0xb3: {  	[sflag:s29] =	ssyncadd.s32 $0xFFFFFFFF  }
0xb4: {  	_ =	strace $0x90000048  }
0xb5: {  	_ =	sfence  }
0xb6: {  	s30 =	sld [smem:$0x0];
	_ =	sdelay $0x2  }
0xb7: {  	s31 =	sshll.u32 s1, $0xD;
	s1 =	sshrl.u32 s1, $0x2  }
0xb8: {  	s3 =	sand.u32 $0x4000, s31;
	s1 =	sadd.s32 s1, s30  }
0xb9: {  	s0 =	sor.u32 s3, s0;
	s1 =	sshll.u32 s1, $0x11  }
0xba: {  	s0 =	sor.u32 s1, s0  }
0xbb: {  	s0 =	sadd.s32 $0x8F2B, s0  }
0xbc: {  	[sflag:s0] =	ssyncadd.remote.s32 $0x1  }
0xbd: {  	_ =	sfence.sel $0xFFFF  }
0xbe: {  	[dreg:$0x0] =	wrdreg $0xFFFFFFFF;
	(pc) =	sbr.abs _section_cstart, $3  }
0xbf: {  	[dreg:$0x1] =	wrdreg $0xFFFFFFFF  }
0xc0: {  	_ =	task.clear_ibuf [dreg:s6], $0x2FFFF;
	_ =	strace $0x9FFFFFFF  }
0xc1: {  	(tm) =	ssettm $0x7FFFFFFF  }
tec
execute0_lowered:
.L_overlay_start_1:
0x0: {  	(tag) =	ssettag $0x1  }
0x1: {  	s7 =	rddreg [dreg:$0x0]  }
0x2: {  	s0 =	rddreg [dreg:$0x1];
	_ =	strace $0x80000047  }
0x3: {  	s1 =	srdreg.scid;
	s4 =	simm.s32 $0x1;
	s9 =	simm.s32 $0x3  }
0x4: {  	s11 =	simm.s32 $0x0;
	p0 =	por $0x0, $0x0;
	s5 =	sshll.u32 s1, $0x4  }
.Ltmp0:
0x5: {  	s1 =	stileid.u32;
	s5 =	sand.u32 $0x10, s5;
	(pc) =	sbr.rel .LBB2_1-.Ltmp0, $4  }
0x6: {  	s2 =	sadd.s32 $0x2600, s7;
	s3 =	sadd.s32 $0x189000, s7;
	s6 =	sor.u32 s1, s5  }
0x7: {  	[sflag:s4] =	ssyncpa.u1 $0x0;
	s5 =	simm.s32 $0x2;
	s6 =	sshll.u32 s6, $0x9  }
0x8: {  	s7 =	sadd.s32 $0x189800, s7;
	[sflag:s5] =	ssyncpa.u1 $0x0;
	s8 =	sadd.s32 $0x200, s6  }
0x9: {  	vm0 =	vmmov $0xff;
	vm1 =	vcmask $0x3F20;
	[sflag:s9] =	ssyncpa.u1 $0x0;
	s10 =	smov.u32 s6;
	s9 =	simm.s32 $0x0  }
.LBB2_7:
0xa: {  	p1 =	slt.u32 s9, $0x2;
	s11 =	sadd.s32 $0x100, s10  }
0xb: {  	s13 =	smov.u32 s6;
	s9 =	sadd.s32 $0x1, s9;
	p2 =	slt.s32 s11, s8  }
0xc: {  	s13 =	smov.u32 @p2 s11;
	p2 =	sne.s32 s9, $0x4  }
.Ltmp1:
0xd: {  	_ = 	snop;
	(pc) =	sbr.rel @!p2 .LBB2_8-.Ltmp1, $4  }
0xe: {  	s12 =	simm.s32 @!p1 $0x3  }
0xf: {  	_ =	swait.ge @!p1 [sflag:s12], $0x8000  }
0x10: {  	p0 =	por !p0, !p0;
	[sflag:s12] =	ssyncset.done @!p1 $0x0  }
0x11: {  	s11 =	smov.u32 s10;
	s10 =	smov.u32 s13;
	[sflag:s12] =	ssyncadd.s32 @!p1 $0xFFFF8000  }
.LBB2_1:
0x12: {  	p1 =	sgt.u32 s9, $0x1  }
0x13: {  	s12 =	sshll.u32 @!p1 s9, $0x8;
	s13 =	sshrl.u32 @!p1 s10, $0x3  }
0x14: {  	s14 =	sand.u32 @!p1 $0x7, s10;
	s12 =	sxor.u32 @!p1 $0x100, s12;
	s13 =	sadd.s32 @!p1 s3, s13  }
0x15: {  	[tilespmem:s12], [sflag:$0x2] =	stream.linear.gather @!p1 [hbm4b:s13+s14], $0x100, $0x38;
	[tilespmem:$0x10200] =	vst v63  }
0x16: {  	p1 =	seq.s32 s9, $0x0  }
0x17: {  	p2 =	seq.s32 @!p1 s9, $0x3  }
0x18: {  	p1 =	por p1, p2  }
.Ltmp2:
0x19: {  	_ = 	snop;
	(pc) =	sbr.rel @p1 .LBB2_7-.Ltmp2, $1  }
0x1a: {  	_ =	sdelay $0x3  }
0x1b: {  	s12 =	simm.s32 $0x1  }
0x1c: {  	_ =	swait.ge [sflag:s5], $0x100;
	s12 =	simm.s32 @!p0 $0x0  }
0x1d: {  	[sflag:s5] =	ssyncset.done $0x0;
	s14 =	sshll.u32 s12, $0x8  }
0x1e: {  	[sflag:s5] =	ssyncadd.s32 $0xFFFFFF00;
	s13 =	sadd.s32 $0x0, s14  }
0x1f: {  	v0 =	vld.msk [tilespmem:s13+$0x0 ss:$0x1], $0xffff;
	_ =	sdelay $0x4  }
0x20: {  	vm2 =	vgt.s32 v0, $0x0  }
0x21: {  	v0 =	vnsel vm2, $0x0, v0  }
0x22: {  	v0 =	vmin.u32 v0, $0x1869F  }
0x23: {  	v0 =	vshll.u32 v0, $0x4;
	_ =	sdelay $0x2  }
0x24: {  	s12 =	sshll.u32 s12, $0xF  }
0x25: {  	s12 =	sor.u32 $0x200, s12  }
0x26: {  	[tilespmem:s12], [sflag:$0x1] =	stream.indirect_vreg.gather [hbm:s2], $0x80, v0, vm0, $0x38;
	[tilespmem:$0x10200] =	vst v63  }
0x27: {  	s15 =	sadd.s32 $0x10, s14;
	s13 =	sadd.s32 $0x400, s12  }
0x28: {  	[tilespmem:s13], [sflag:$0x1] =	stream.indirect_vreg.gather [hbm:s2], $0x80, v0, vm1, $0x38;
	[tilespmem:$0x10200] =	vst v63  }
0x29: {  	s16 =	simm.s32 $0x80;
	v0 =	vld.msk [tilespmem:s15+$0x0 ss:$0x1], $0xffff;
	s15 =	smov.u32 s12  }
.LBB2_3:
0x2a: {  	p1 =	sne.s32 s16, $0x3C0;
	_ =	sdelay $0x4  }
0x2b: {  	vm2 =	vgt.s32 v0, $0x0  }
0x2c: {  	v0 =	vnsel vm2, $0x0, v0  }
0x2d: {  	v0 =	vmin.u32 v0, $0x1869F  }
0x2e: {  	v0 =	vshll.u32 v0, $0x4;
	_ =	sdelay $0x3  }
.Ltmp3:
0x2f: {  	s17 =	sshra.s32 s16, $0x2;
	s15 =	sadd.s32 $0x800, s15;
	(pc) =	sbr.rel @p1 .LBB2_3-.Ltmp3, $4  }
0x30: {  	[tilespmem:s15], [sflag:$0x1] =	stream.indirect_vreg.gather [hbm:s2], $0x80, v0, vm0, $0x38;
	[tilespmem:$0x10200] =	vst v63  }
0x31: {  	s17 =	sadd.s32 s17, s14;
	s18 =	sadd.s32 $0x400, s15  }
0x32: {  	[tilespmem:s18], [sflag:$0x1] =	stream.indirect_vreg.gather [hbm:s2], $0x80, v0, vm1, $0x38;
	[tilespmem:$0x10200] =	vst v63  }
0x33: {  	s16 =	sadd.s32 $0x40, s16;
	v0 =	vld.msk [tilespmem:s17+$0x0 ss:$0x1], $0xffff  }
0x34: {  	_ =	sdelay $0x3  }
0x35: {  	vm2 =	vgt.s32 v0, $0x0  }
0x36: {  	v0 =	vnsel vm2, $0x0, v0  }
0x37: {  	v0 =	vmin.u32 v0, $0x1869F  }
0x38: {  	v0 =	vshll.u32 v0, $0x4;
	_ =	sdelay $0x3  }
0x39: {  	s14 =	sadd.s32 $0x800, s15  }
0x3a: {  	[tilespmem:s14], [sflag:$0x1] =	stream.indirect_vreg.gather [hbm:s2], $0x80, v0, vm0, $0x38;
	[tilespmem:$0x10200] =	vst v63  }
0x3b: {  	s14 =	sadd.s32 $0x400, s14  }
0x3c: {  	[tilespmem:s14], [sflag:$0x1] =	stream.indirect_vreg.gather [hbm:s2], $0x80, v0, vm1, $0x38;
	[tilespmem:$0x10200] =	vst v63  }
0x3d: {  	s11 =	sshll.u32 s11, $0x4;
	_ =	swait.ge [sflag:s4], $0x8000  }
0x3e: {  	s11 =	sadd.s32 s11, s7;
	[sflag:s4] =	ssyncset.done $0x0  }
0x3f: {  	s15 =	sadd.s32 $0x0, s11;
	s14 =	simm.s32 $0x80;
	[sflag:s4] =	ssyncadd.s32 $0xFFFF8000  }
.LBB2_5:
0x40: {  	[hbm:s15] =	stream.linear.scatter [tilespmem:s12], [sflag:$0x3], $0x400, $0x38;
	[tilespmem:$0x10200] =	vst v63  }
0x41: {  	s15 =	smov.u32 s14;
	s12 =	smov.u32 s13;
	p1 =	sne.s32 s14, $0xF80  }
.Ltmp4:
0x42: {  	s14 =	sadd.s32 $0x80, s14;
	(pc) =	sbr.rel @p1 .LBB2_5-.Ltmp4, $2  }
0x43: {  	_ =	sdelay $0x2  }
0x44: {  	s13 =	sadd.s32 $0x400, s13;
	s15 =	sadd.s32 s15, s11  }
.Ltmp5:
0x45: {  	(pc) =	sbr.rel .LBB2_7-.Ltmp5, $2  }
0x46: {  	_ =	sdelay $0x2  }
0x47: {  	[hbm:s15] =	stream.linear.scatter [tilespmem:s12], [sflag:$0x3], $0x400, $0x38;
	[tilespmem:$0x10200] =	vst v63  }
.LBB2_8:
0x48: {  	_ =	sfence.sel $0x180000  }
0x49: {  	s2 =	simm.s32 $0x2;
	[bflag:$0x0] =	sbarrier.arrive $0xFFFF  }
0x4a: {  	s30 =	simm.s32 $0x3;
	[sflag:s2] =	ssyncpa.u1 $0x1  }
0x4b: {  	s31 =	simm.s32 $0x1;
	[sflag:s30] =	ssyncpa.u1 $0x1  }
0x4c: {  	[sflag:s31] =	ssyncpa.u1 $0x1  }
0x4d: {  	p0 =	sne.s32 s1, $0x0;
	_ =	strace $0x90000047  }
0x4e: {  	s0 =	sadd.s32 @!p0 $0x100000, s0;
	[bflag:$0x2] =	sbarrier.arrive $0xFFFF  }
0x4f: {  	[sflag:s0] =	ssyncadd.tile.s32 @!p0 $0x1;
	_ =	shalt  }
.Lfunc_end2:
_tile_overlayer_lowered:
.L_overlay_start_2:
0x50: {  	(tag) =	ssettag $0x2  }
0x51: {  	s0 =	rddreg [dreg:$0x0];
	s2 =	stileid.u32  }
0x52: {  	s1 =	rddreg [dreg:$0x1];
	p0 =	sne.s32 s2, $0x0  }
0x53: {  	s3 =	rddreg [dreg:$0x2];
	[bflag:$0x3] =	sbarrier.arrive $0xFFFF;
	s2 =	simm.s32 @!p0 $0x1C01  }
0x54: {  	[timem:s3], [sflag:s2] =	dma.local @!p0 [hbm:s0], s1  }
0x55: {  	s0 =	simm.s32 @!p0 $0x1  }
0x56: {  	_ =	swait.ge @!p0 [sflag:s0], s1  }
0x57: {  	s1 =	ssub.s32 @!p0 $0x0, s1;
	[sflag:s0] =	ssyncset.done @!p0 $0x0  }
0x58: {  	[sflag:s0] =	ssyncadd.s32 @!p0 s1  }
0x59: {  	[bflag:$0x3] =	sbarrier.arrive $0xFFFF  }
0x5a: {  	_ =	shalt  }

</sc_bundles>
